<compile_context>
chip_gen: v7x
topology: tpu7x:2x2x1
jax: 0.10.2.dev20260603
libtpu: 0.0.44.dev20260713+nightly
codegen_flags: <defaults>
</compile_context>

<pallas_src>
import numpy as np
import jax
import jax.numpy as jnp
from jax.experimental import pallas as pl
from jax.experimental.pallas import tpu as pltpu

NUM_HEADS = 32
NUM_KV_HEADS = 8
HEAD_DIM = 128
HALF = HEAD_DIM // 2
MAX_POS = 4096
BASE = 10000.0

_TOKEN_BLOCK = 256


def _rope_cache_kernel(pos_ref, qkv_ref, q_ref, k_ref, cache_ref):
    pos = pos_ref[...].astype(jnp.float32)
    two_i = 2.0 * jax.lax.broadcasted_iota(
        jnp.int32, (1, HALF), 1).astype(jnp.float32)
    inv = 1.0 / (BASE ** (two_i / HEAD_DIM))
    freqs = pos * inv
    c = jnp.cos(freqs)
    s = jnp.sin(freqs)
    cc = jnp.concatenate([c, c], axis=-1)[:, None, :]
    ss = jnp.concatenate([-s, s], axis=-1)[:, None, :]

    T = qkv_ref.shape[0]
    n_qk = NUM_HEADS + NUM_KV_HEADS
    qk = qkv_ref[:, :n_qk * HEAD_DIM].reshape(T, n_qk, HEAD_DIM)
    rot = pltpu.roll(qk, HALF, 2)
    out = qk * cc + rot * ss

    q_ref[...] = out[:, :NUM_HEADS]
    k_rot = out[:, NUM_HEADS:]
    v = qkv_ref[:, n_qk * HEAD_DIM:].reshape(T, NUM_KV_HEADS, HEAD_DIM)
    k_ref[...] = k_rot
    cache_ref[0, 0] = k_rot
    cache_ref[1, 0] = v
    zeros = jnp.zeros_like(v)
    cache_ref[0, 1] = zeros
    cache_ref[1, 1] = zeros


def kernel(qkv, positions, kv_cache, slot_mapping):
    n_tok = qkv.shape[0]
    qkv_width = qkv.shape[1]
    pos2 = positions.reshape(n_tok, 1)

    T = _TOKEN_BLOCK
    grid = (n_tok // T,)

    out_shape = (
        jax.ShapeDtypeStruct((n_tok, NUM_HEADS, HEAD_DIM), jnp.float32),
        jax.ShapeDtypeStruct((n_tok, NUM_KV_HEADS, HEAD_DIM), jnp.float32),
        jax.ShapeDtypeStruct((2, 2, n_tok, NUM_KV_HEADS, HEAD_DIM),
                             jnp.float32),
    )
    in_specs = [
        pl.BlockSpec((T, 1), lambda i: (i, 0)),
        pl.BlockSpec((T, qkv_width), lambda i: (i, 0)),
    ]
    out_specs = [
        pl.BlockSpec((T, NUM_HEADS, HEAD_DIM), lambda i: (i, 0, 0)),
        pl.BlockSpec((T, NUM_KV_HEADS, HEAD_DIM), lambda i: (i, 0, 0)),
        pl.BlockSpec((2, 2, T, NUM_KV_HEADS, HEAD_DIM),
                     lambda i: (0, 0, i, 0, 0)),
    ]

    q, k, cache5 = pl.pallas_call(
        _rope_cache_kernel,
        grid=grid,
        in_specs=in_specs,
        out_specs=out_specs,
        out_shape=out_shape,
        compiler_params=pltpu.CompilerParams(
            dimension_semantics=("parallel",)),
    )(pos2, qkv)

    v = qkv[:, (NUM_HEADS + NUM_KV_HEADS) * HEAD_DIM:].reshape(
        n_tok, NUM_KV_HEADS, HEAD_DIM)
    new_cache = cache5.reshape(2, 2 * n_tok, NUM_KV_HEADS, HEAD_DIM)
    return q, k, v, new_cache

# --- scband reference (transcript-rebuilt; emitter-appended) ---
"""Pipeline reference for scband-qkro-pekvcache-test-model-12524124636078 (READ-ONLY COPY).

The authoritative reference and input builder live on the scoring server;
editing this copy changes nothing except your own understanding.
"""

import jax, jax.numpy as jnp
import numpy as np

NUM_HEADS = 32
NUM_KV_HEADS = 8
HEAD_DIM = 128
Q_SIZE = NUM_HEADS * HEAD_DIM          # 4096
KV_SIZE = NUM_KV_HEADS * HEAD_DIM      # 1024
MAX_POS = 4096
BASE = 10000.0
NUM_TOKENS = 8192
CACHE_SLOTS = 2 * NUM_TOKENS


def setup_inputs(seed: int = 0) -> dict:
    key = jax.random.key(seed)
    k1, k2 = jax.random.split(key, 2)
    qkv = jax.random.normal(k1, (NUM_TOKENS, Q_SIZE + 2 * KV_SIZE), dtype=jnp.float32)
    positions = jax.random.randint(k2, (NUM_TOKENS,), 0, MAX_POS)
    # KV cache state (stand-in for vllm's paged kv cache for this layer):
    # kv_cache[0] holds keys, kv_cache[1] holds values, indexed by slot.
    kv_cache = jnp.zeros((2, CACHE_SLOTS, NUM_KV_HEADS, HEAD_DIM), dtype=jnp.float32)
    slot_mapping = jnp.arange(NUM_TOKENS, dtype=jnp.int32)
    return {"qkv": qkv, "positions": positions, "kv_cache": kv_cache, "slot_mapping": slot_mapping}


def _rope_cos_sin(positions):
    # Neox-style rotary embedding cache (vllm RotaryEmbedding), gathered by positions.
    inv_freq = 1.0 / (BASE ** (jnp.arange(0, HEAD_DIM, 2, dtype=jnp.float32) / HEAD_DIM))
    t = jnp.arange(MAX_POS, dtype=jnp.float32)
    freqs = jnp.einsum("i,j->ij", t, inv_freq)              # [MAX_POS, HEAD_DIM//2]
    cos_cache = jnp.cos(freqs)
    sin_cache = jnp.sin(freqs)
    cos = jnp.take(cos_cache, positions, axis=0)             # gather (INDEX_SELECT_OP)
    sin = jnp.take(sin_cache, positions, axis=0)
    return cos, sin


def _apply_rope_neox(x, cos, sin):
    # x: [T, H, D]; cos/sin: [T, D//2]
    d2 = x.shape[-1] // 2
    x1 = x[..., :d2]
    x2 = x[..., d2:]
    c = cos[:, None, :]
    s = sin[:, None, :]
    return jnp.concatenate([x1 * c - x2 * s, x2 * c + x1 * s], axis=-1)


def reference(qkv, positions, kv_cache, slot_mapping):
    q = qkv[:, :Q_SIZE]
    k = qkv[:, Q_SIZE:Q_SIZE + KV_SIZE]
    v = qkv[:, Q_SIZE + KV_SIZE:]

    q = q.reshape(-1, NUM_HEADS, HEAD_DIM)
    k = k.reshape(-1, NUM_KV_HEADS, HEAD_DIM)
    v = v.reshape(-1, NUM_KV_HEADS, HEAD_DIM)

    cos, sin = _rope_cos_sin(positions)
    q = _apply_rope_neox(q, cos, sin)
    k = _apply_rope_neox(k, cos, sin)

    # unified_kv_cache_update: scatter-overwrite k/v into the cache at slot_mapping
    new_cache = kv_cache.at[0, slot_mapping].set(k)
    new_cache = new_cache.at[1, slot_mapping].set(v)

    return (q, k, v, new_cache)

if __name__ == "__main__":
    import jax
    _d = setup_inputs()
    print(jax.jit(kernel)(*tuple(_d.values())))

</pallas_src>

<mosaic_0001>
module attributes {stable_mosaic.version = 14 : i64} {
  func.func @_rope_cache_kernel(%arg0: i32, %arg1: memref<256x1xi32, #tpu.memory_space<vmem>>, %arg2: memref<256x6144xf32, #tpu.memory_space<vmem>>, %arg3: memref<256x32x128xf32, #tpu.memory_space<vmem>>, %arg4: memref<256x8x128xf32, #tpu.memory_space<vmem>>, %arg5: memref<2x2x256x8x128xf32, #tpu.memory_space<vmem>>) attributes {dimension_semantics = [#tpu.dimension_semantics<parallel>], iteration_bounds = array<i64: 32>, scalar_prefetch = 0 : i64, scratch_operands = 0 : i64, tpu.core_type = #tpu.core_type<tc>, window_params = [{transform_indices = @transform_0, window_bounds = array<i64: 256, 1>}, {transform_indices = @transform_1, window_bounds = array<i64: 256, 6144>}, {transform_indices = @transform_2, window_bounds = array<i64: 256, 32, 128>}, {transform_indices = @transform_3, window_bounds = array<i64: 256, 8, 128>}, {transform_indices = @transform_4, window_bounds = array<i64: 2, 2, 256, 8, 128>}]} {
    %get3A = arith.constant 0 : index
    %get3A_0 = arith.constant 0 : index
    %get3A_1 = vector.load %arg1[%get3A, %get3A_0] : memref<256x1xi32, #tpu.memory_space<vmem>>, vector<256x1xi32>
    %convert_element_type3A = arith.sitofp %get3A_1 : vector<256x1xi32> to vector<256x1xf32>
    %iota3A = tpu.iota {dimensions = array<i32: 1>} : vector<1x64xi32>
    %convert_element_type3A_2 = arith.sitofp %iota3A : vector<1x64xi32> to vector<1x64xf32>
    %mul3A = arith.constant 2.000000e+00 : f32
    %mul3A_3 = vector.broadcast %mul3A : f32 to vector<1x64xf32>
    %mul3A_4 = arith.mulf %mul3A_3, %convert_element_type3A_2 : vector<1x64xf32>
    %div3A = arith.constant 1.280000e+02 : f32
    %div3A_5 = vector.broadcast %div3A : f32 to vector<1x64xf32>
    %div3A_6 = arith.divf %mul3A_4, %div3A_5 : vector<1x64xf32>
    %pow3A = arith.constant 1.000000e+04 : f32
    %pow3A_7 = vector.broadcast %pow3A : f32 to vector<1x64xf32>
    %pow3A_8 = math.powf %pow3A_7, %div3A_6 : vector<1x64xf32>
    %div3A_9 = arith.constant 1.000000e+00 : f32
    %div3A_10 = vector.broadcast %div3A_9 : f32 to vector<1x64xf32>
    %div3A_11 = arith.divf %div3A_10, %pow3A_8 : vector<1x64xf32>
    %mul3A_12 = vector.broadcast %convert_element_type3A : vector<256x1xf32> to vector<256x64xf32>
    %mul3A_13 = vector.broadcast %div3A_11 : vector<1x64xf32> to vector<256x64xf32>
    %mul3A_14 = arith.mulf %mul3A_12, %mul3A_13 : vector<256x64xf32>
    %cos3A = math.cos %mul3A_14 : vector<256x64xf32>
    %sin3A = math.sin %mul3A_14 : vector<256x64xf32>
    %concatenate3A = tpu.concatenate %cos3A, %cos3A in 1 : vector<256x64xf32>, vector<256x64xf32> -> vector<256x128xf32>
    %broadcast_in_dim3A = vector.shape_cast %concatenate3A : vector<256x128xf32> to vector<256x1x128xf32>
    %neg3A = arith.constant 0.000000e+00 : f32
    %neg3A_15 = vector.broadcast %neg3A : f32 to vector<256x64xf32>
    %neg3A_16 = arith.subf %neg3A_15, %sin3A : vector<256x64xf32>
    %concatenate3A_17 = tpu.concatenate %neg3A_16, %sin3A in 1 : vector<256x64xf32>, vector<256x64xf32> -> vector<256x128xf32>
    %broadcast_in_dim3A_18 = vector.shape_cast %concatenate3A_17 : vector<256x128xf32> to vector<256x1x128xf32>
    %get3A_19 = arith.constant 0 : index
    %get3A_20 = arith.constant 0 : index
    %get3A_21 = vector.load %arg2[%get3A_19, %get3A_20] : memref<256x6144xf32, #tpu.memory_space<vmem>>, vector<256x5120xf32>
    %reshape3A = vector.shape_cast %get3A_21 : vector<256x5120xf32> to vector<256x40x128xf32>
    %roll3A = arith.constant 64 : i32
    %roll3A_22 = tpu.dynamic_rotate %reshape3A by %roll3A dim 2 : vector<256x40x128xf32>, i32 -> vector<256x40x128xf32>
    %mul3A_23 = vector.broadcast %broadcast_in_dim3A : vector<256x1x128xf32> to vector<256x40x128xf32>
    %mul3A_24 = arith.mulf %reshape3A, %mul3A_23 : vector<256x40x128xf32>
    %mul3A_25 = vector.broadcast %broadcast_in_dim3A_18 : vector<256x1x128xf32> to vector<256x40x128xf32>
    %mul3A_26 = arith.mulf %roll3A_22, %mul3A_25 : vector<256x40x128xf32>
    %add3A = arith.addf %mul3A_24, %mul3A_26 : vector<256x40x128xf32>
    %slice3A = vector.extract_strided_slice %add3A {offsets = [0, 0, 0], sizes = [256, 32, 128], strides = [1, 1, 1]} : vector<256x40x128xf32> to vector<256x32x128xf32>
    %swap3A = arith.constant 0 : index
    %swap3A_27 = arith.constant 0 : index
    %swap3A_28 = arith.constant 0 : index
    %swap3A_29 = vector.load %arg3[%swap3A, %swap3A_27, %swap3A_28] : memref<256x32x128xf32, #tpu.memory_space<vmem>>, vector<256x32x128xf32>
    tpu.vector_store %arg3[%swap3A, %swap3A_27, %swap3A_28], %slice3A {strides = array<i32>} : memref<256x32x128xf32, #tpu.memory_space<vmem>>, vector<256x32x128xf32>,
    %slice3A_30 = vector.extract_strided_slice %add3A {offsets = [0, 32, 0], sizes = [256, 8, 128], strides = [1, 1, 1]} : vector<256x40x128xf32> to vector<256x8x128xf32>
    %get3A_31 = arith.constant 0 : index
    %get3A_32 = arith.constant 5120 : index
    %get3A_33 = vector.load %arg2[%get3A_31, %get3A_32] : memref<256x6144xf32, #tpu.memory_space<vmem>>, vector<256x1024xf32>
    %reshape3A_34 = vector.shape_cast %get3A_33 : vector<256x1024xf32> to vector<256x8x128xf32>
    %swap3A_35 = arith.constant 0 : index
    %swap3A_36 = arith.constant 0 : index
    %swap3A_37 = arith.constant 0 : index
    %swap3A_38 = vector.load %arg4[%swap3A_35, %swap3A_36, %swap3A_37] : memref<256x8x128xf32, #tpu.memory_space<vmem>>, vector<256x8x128xf32>
    tpu.vector_store %arg4[%swap3A_35, %swap3A_36, %swap3A_37], %slice3A_30 {strides = array<i32>} : memref<256x8x128xf32, #tpu.memory_space<vmem>>, vector<256x8x128xf32>,
    %swap3A_39 = arith.constant 0 : index
    %swap3A_40 = arith.constant 0 : index
    %swap3A_41 = arith.constant 0 : index
    %swap3A_42 = arith.constant 0 : index
    %swap3A_43 = arith.constant 0 : index
    %swap3A_44 = vector.load %arg5[%swap3A_39, %swap3A_40, %swap3A_41, %swap3A_42, %swap3A_43] : memref<2x2x256x8x128xf32, #tpu.memory_space<vmem>>, vector<1x1x256x8x128xf32>
    %swap3A_45 = vector.shape_cast %swap3A_44 : vector<1x1x256x8x128xf32> to vector<256x8x128xf32>
    %swap3A_46 = vector.shape_cast %slice3A_30 : vector<256x8x128xf32> to vector<1x1x256x8x128xf32>
    tpu.vector_store %arg5[%swap3A_39, %swap3A_40, %swap3A_41, %swap3A_42, %swap3A_43], %swap3A_46 {strides = array<i32>} : memref<2x2x256x8x128xf32, #tpu.memory_space<vmem>>, vector<1x1x256x8x128xf32>,
    %swap3A_47 = arith.constant 1 : index
    %swap3A_48 = arith.constant 0 : index
    %swap3A_49 = arith.constant 0 : index
    %swap3A_50 = arith.constant 0 : index
    %swap3A_51 = arith.constant 0 : index
    %swap3A_52 = vector.load %arg5[%swap3A_47, %swap3A_48, %swap3A_49, %swap3A_50, %swap3A_51] : memref<2x2x256x8x128xf32, #tpu.memory_space<vmem>>, vector<1x1x256x8x128xf32>
    %swap3A_53 = vector.shape_cast %swap3A_52 : vector<1x1x256x8x128xf32> to vector<256x8x128xf32>
    %swap3A_54 = vector.shape_cast %reshape3A_34 : vector<256x8x128xf32> to vector<1x1x256x8x128xf32>
    tpu.vector_store %arg5[%swap3A_47, %swap3A_48, %swap3A_49, %swap3A_50, %swap3A_51], %swap3A_54 {strides = array<i32>} : memref<2x2x256x8x128xf32, #tpu.memory_space<vmem>>, vector<1x1x256x8x128xf32>,
    %broadcast_in_dim3A_55 = arith.constant 0.000000e+00 : f32
    %broadcast_in_dim3A_56 = vector.broadcast %broadcast_in_dim3A_55 : f32 to vector<256x8x128xf32>
    %swap3A_57 = arith.constant 0 : index
    %swap3A_58 = arith.constant 1 : index
    %swap3A_59 = arith.constant 0 : index
    %swap3A_60 = arith.constant 0 : index
    %swap3A_61 = arith.constant 0 : index
    %swap3A_62 = vector.load %arg5[%swap3A_57, %swap3A_58, %swap3A_59, %swap3A_60, %swap3A_61] : memref<2x2x256x8x128xf32, #tpu.memory_space<vmem>>, vector<1x1x256x8x128xf32>
    %swap3A_63 = vector.shape_cast %swap3A_62 : vector<1x1x256x8x128xf32> to vector<256x8x128xf32>
    %swap3A_64 = vector.shape_cast %broadcast_in_dim3A_56 : vector<256x8x128xf32> to vector<1x1x256x8x128xf32>
    tpu.vector_store %arg5[%swap3A_57, %swap3A_58, %swap3A_59, %swap3A_60, %swap3A_61], %swap3A_64 {strides = array<i32>} : memref<2x2x256x8x128xf32, #tpu.memory_space<vmem>>, vector<1x1x256x8x128xf32>,
    %swap3A_65 = arith.constant 1 : index
    %swap3A_66 = arith.constant 1 : index
    %swap3A_67 = arith.constant 0 : index
    %swap3A_68 = arith.constant 0 : index
    %swap3A_69 = arith.constant 0 : index
    %swap3A_70 = vector.load %arg5[%swap3A_65, %swap3A_66, %swap3A_67, %swap3A_68, %swap3A_69] : memref<2x2x256x8x128xf32, #tpu.memory_space<vmem>>, vector<1x1x256x8x128xf32>
    %swap3A_71 = vector.shape_cast %swap3A_70 : vector<1x1x256x8x128xf32> to vector<256x8x128xf32>
    %swap3A_72 = vector.shape_cast %broadcast_in_dim3A_56 : vector<256x8x128xf32> to vector<1x1x256x8x128xf32>
    tpu.vector_store %arg5[%swap3A_65, %swap3A_66, %swap3A_67, %swap3A_68, %swap3A_69], %swap3A_72 {strides = array<i32>} : memref<2x2x256x8x128xf32, #tpu.memory_space<vmem>>, vector<1x1x256x8x128xf32>,
    return
  }
  func.func @transform_0(%arg0: i32) -> (i32, i32) {
    %c0_i32 = arith.constant 0 : i32
    %c0_i32_0 = arith.constant 0 : i32
    return %arg0, %c0_i32 : i32, i32
  }
  func.func @transform_1(%arg0: i32) -> (i32, i32) {
    %c0_i32 = arith.constant 0 : i32
    %c0_i32_0 = arith.constant 0 : i32
    return %arg0, %c0_i32 : i32, i32
  }
  func.func @transform_2(%arg0: i32) -> (i32, i32, i32) {
    %c0_i32 = arith.constant 0 : i32
    %c0_i32_0 = arith.constant 0 : i32
    %c0_i32_1 = arith.constant 0 : i32
    return %arg0, %c0_i32, %c0_i32_0 : i32, i32, i32
  }
  func.func @transform_3(%arg0: i32) -> (i32, i32, i32) {
    %c0_i32 = arith.constant 0 : i32
    %c0_i32_0 = arith.constant 0 : i32
    %c0_i32_1 = arith.constant 0 : i32
    return %arg0, %c0_i32, %c0_i32_0 : i32, i32, i32
  }
  func.func @transform_4(%arg0: i32) -> (i32, i32, i32, i32, i32) {
    %c0_i32 = arith.constant 0 : i32
    %c0_i32_0 = arith.constant 0 : i32
    %c0_i32_1 = arith.constant 0 : i32
    %c0_i32_2 = arith.constant 0 : i32
    %c0_i32_3 = arith.constant 0 : i32
    return %c0_i32, %c0_i32_0, %arg0, %c0_i32_1, %c0_i32_2 : i32, i32, i32, i32, i32
  }
}

</mosaic_0001>

<sc_bundles>
// kernel: sparse-core-data-format-call.cloned.1.call-start
scs
called_computation_lowered:
.L_overlay_start_0:
0x0: {  	s2 =	sld [smem:$0x3FD9]  }
0x1: {  	s3 =	sld [smem:$0x3FFE];
	_ =	sdelay $0x1  }
0x2: {  	s1 =	srdreg.scid  }
0x3: {  	s0 =	sand.u32 $0x1, s1  }
0x4: {  	s15 =	sshll.u32 s0, $0xA;
	s2 =	sadd.s32 s3, s2  }
0x5: {  	s2 =	sadd.s32 s2, s15  }
0x6: {  	[smem:$0x3FC6] =	sst s2  }
0x7: {  	_ = 	snop  }
0x8: {  	s2 =	sld [smem:$0x3FD0];
	_ =	sdelay $0x2  }
0x9: {  	s16 =	simm.s32 $0xA;
	s4 =	simm.s32 $0x10  }
0xa: {  	[smem:s4], [sflag:s16] =	dma.local [hbm:s2], $0x1  }
0xb: {  	_ =	swait.eq [sflag:s16], $0x1  }
0xc: {  	[sflag:s16] =	ssyncset.done $0x0  }
0xd: {  	[sflag:s16] =	ssyncadd.s32 $0xFFFFFFFF  }
0xe: {  	s17 =	sld [smem:$0x12];
	(tm) =	ssettm $0x1  }
0xf: {  	s18 =	sld [smem:$0x3FFB];
	_ =	sdelay $0x3  }
0x10: {  	_ =	strace s18  }
0x11: {  	s3 =	sld [smem:$0x3FFC];
	_ =	sdelay $0x3  }
0x12: {  	_ =	strace s3  }
0x13: {  	s3 =	sld [smem:$0x3FFD];
	_ =	sdelay $0x3  }
0x14: {  	_ =	strace s3  }
0x15: {  	_ =	strace $0x8FFFFFFF  }
0x16: {  	s19 =	sld [smem:$0x3FDB];
	_ =	sdelay $0x1  }
0x17: {  	s20 =	simm.s32 $_scs_section_size  }
0x18: {  	s5 =	simm.s32 $_size__tile_overlayer_lowered;
	s6 =	simm.s32 $_tile_overlayer_lowered  }
0x19: {  	s23 =	simm.s32 $0x1BFF;
	s22 =	sshll.u32 s6, $0x1;
	s3 =	sadd.s32 s20, s19  }
0x1a: {  	s7 =	simm.s32 $0x0;
	s21 =	sshll.u32 s5, $0x1;
	s5 =	sadd.s32 s22, s3  }
0x1b: {  	[timem:s7], [sflag:s23] =	dma.local [hbm:s5], s21  }
0x1c: {  	_ =	swait.ge [sflag:s23], s21  }
0x1d: {  	s4 =	ssub.s32 $0x0, s21;
	[sflag:s23] =	ssyncset.done $0x0  }
0x1e: {  	[sflag:s23] =	ssyncadd.s32 s4;
	_ =	sdelay $0x1  }
0x1f: {  	s24 =	simm.s32 $0x1B8B  }
0x20: {  	_ =	swait.ge [sflag:s24], $0x1  }
0x21: {  	[sflag:s24] =	ssyncset.done $0x0  }
0x22: {  	s26 =	simm.s32 $0x1B8E;
	s25 =	sld [smem:$0x3FFE];
	[sflag:s24] =	ssyncadd.s32 $0xFFFFFFFF  }
0x23: {  	s27 =	simm.s32 $execute0_lowered;
	[smem:$0x3FD2] =	sst s26  }
0x24: {  	s5 =	sshll.u32 s27, $0x1;
	_ =	strace $0x80000046;
	[dreg:$0x1] =	wrdreg $0xFFFFFFFF  }
0x25: {  	s28 =	simm.s32 $_size_execute0_lowered;
	s3 =	sadd.s32 s3, s5;
	[dreg:$0x0] =	wrdreg $0x0  }
0x26: {  	s5 =	sshll.u32 s28, $0x1;
	[dreg:$0x2] =	wrdreg s3  }
0x27: {  	[dreg:$0x3] =	wrdreg s5  }
0x28: {  	[dreg:$0x4] =	wrdreg $0xC0  }
0x29: {  	_ =	task [dreg:s7], $0x5FFFF  }
0x2a: {  	[dreg:$0x1] =	wrdreg $0xFFFFFFFF  }
0x2b: {  	[dreg:$0x0] =	wrdreg $0x60  }
0x2c: {  	[dreg:$0x2] =	wrdreg s25  }
0x2d: {  	[dreg:$0x3] =	wrdreg s17  }
0x2e: {  	[dreg:$0x4] =	wrdreg $0x9  }
0x2f: {  	_ =	task.clear_ibuf [dreg:s7], $0x5FFFF;
	_ =	strace $0x90000046  }
0x30: {  	s29 =	simm.s32 $0x9;
	_ =	strace $0x80000048  }
0x31: {  	_ =	swait.ge [sflag:s29], $0x1  }
0x32: {  	[sflag:s29] =	ssyncadd.s32 $0xFFFFFFFF  }
0x33: {  	_ =	strace $0x90000048  }
0x34: {  	_ =	sfence  }
0x35: {  	s30 =	sld [smem:$0x0];
	_ =	sdelay $0x2  }
0x36: {  	s31 =	sshll.u32 s1, $0xD;
	s1 =	sshrl.u32 s1, $0x2  }
0x37: {  	s3 =	sand.u32 $0x4000, s31;
	s1 =	sadd.s32 s1, s30  }
0x38: {  	s0 =	sor.u32 s3, s0;
	s1 =	sshll.u32 s1, $0x11  }
0x39: {  	s0 =	sor.u32 s1, s0  }
0x3a: {  	s0 =	sadd.s32 $0x8F2B, s0  }
0x3b: {  	[sflag:s0] =	ssyncadd.remote.s32 $0x1  }
0x3c: {  	_ =	sfence.sel $0xFFFF  }
0x3d: {  	[dreg:$0x0] =	wrdreg $0xFFFFFFFF;
	(pc) =	sbr.abs _section_cstart, $3  }
0x3e: {  	[dreg:$0x1] =	wrdreg $0xFFFFFFFF  }
0x3f: {  	_ =	task.clear_ibuf [dreg:s7], $0x2FFFF;
	_ =	strace $0x9FFFFFFF  }
0x40: {  	(tm) =	ssettm $0x7FFFFFFF  }
0x41: {  	_ =	shalt  }
tec
execute0_lowered:
.L_overlay_start_1:
0x0: {  	(tag) =	ssettag $0x1  }
0x1: {  	s0 =	srdreg.scid  }
0x2: {  	s1 =	sshll.u32 s0, $0x4  }
0x3: {  	s4 =	rddreg [dreg:$0x0];
	s0 =	stileid.u32;
	s1 =	sand.u32 $0x10, s1  }
0x4: {  	s2 =	rddreg [dreg:$0x1];
	s7 =	simm.s32 $0x1;
	s1 =	sor.u32 s0, s1  }
0x5: {  	s8 =	simm.s32 $0x2;
	s9 =	simm.s32 $0x0;
	s3 =	sshll.u32 s1, $0x1  }
0x6: {  	s12 =	simm.s32 $0x0;
	s11 =	simm.s32 $0x0;
	s6 =	ssub.s32 $0x400, s3  }
.Ltmp0:
0x7: {  	s4 =	sadd.s32 $0x800, s4;
	s5 =	sand.u32 $0x3E, s6;
	(pc) =	sbr.rel .LBB1_1-.Ltmp0, $4  }
0x8: {  	s1 =	rddreg [dreg:$0x2];
	_ =	strace $0x80000047;
	p0 =	sne.s32 s5, $0x0  }
0x9: {  	s6 =	sshrl.u32 s6, $0x6;
	s5 =	simm.s32 $0x1;
	s7 =	simm.s32 @!p0 $0x0  }
0xa: {  	s10 =	smov.u32 s3;
	[sflag:s5] =	ssyncpa.u1 $0x0;
	s6 =	sadd.s32 s7, s6  }
0xb: {  	[sflag:s8] =	ssyncpa.u1 $0x0;
	s8 =	simm.s32 $0x0;
	s7 =	sadd.s32 $0x1, s6  }
.LBB1_9:
0xc: {  	s14 =	sadd.s32 $0x40, s10  }
0xd: {  	p1 =	sgt.s32 s14, $0x3FF  }
0xe: {  	s14 =	smov.u32 @p1 s3;
	p1 =	sne.s32 s11, s7  }
.Ltmp1:
0xf: {  	p0 =	slt.u32 s11, $0x2;
	(pc) =	sbr.rel @!p1 .LBB1_10-.Ltmp1, $4  }
0x10: {  	s13 =	simm.s32 @!p0 $0x2  }
0x11: {  	s15 =	sadd.s32 $0x1, s11;
	_ =	swait.ge @!p0 [sflag:s13], $0x4000  }
0x12: {  	s12 =	smov.u32 s10;
	s9 =	sadd.s32 $0x4000, s9;
	[sflag:s13] =	ssyncset.done @!p0 $0x0  }
0x13: {  	s11 =	smov.u32 s15;
	s10 =	smov.u32 s14;
	[sflag:s13] =	ssyncadd.s32 @!p0 $0xFFFFC000  }
.LBB1_1:
0x14: {  	p0 =	sge.u32 s11, s6  }
0x15: {  	s13 =	sxor.u32 @!p0 $0xFFFFFFFF, s11  }
0x16: {  	s31 =	sadd.s32 $0xFFFFFFFF, s11;
	s14 =	sshll.u32 @!p0 s10, $0xA;
	s13 =	sshll.u32 @!p0 s13, $0xE  }
0x17: {  	s15 =	simm.s32 @!p0 $0x0;
	s14 =	sadd.s32 @!p0 s4, s14;
	s13 =	sand.u32 @!p0 $0x4000, s13  }
0x18: {  	[tilespmem:s13], [sflag:$0x1] =	stream.linear.gather @!p0 [hbm4b:s14+s15], $0x4000, $0x38;
	[tilespmem:$0x10000] =	vst v63  }
0x19: {  	p0 =	sge.u32 s31, s6  }
.Ltmp2:
0x1a: {  	_ = 	snop;
	(pc) =	sbr.rel @p0 .LBB1_9-.Ltmp2, $1  }
0x1b: {  	_ =	sdelay $0x3  }
0x1c: {  	s13 =	sshll.u32 s9, $0x2  }
0x1d: {  	_ =	swait.ge [sflag:s5], $0x4000;
	s14 =	sshll.u32 s11, $0xE;
	s16 =	simm.s32 $0x0  }
0x1e: {  	p1 =	por $0x1, $0x1;
	s13 =	sand.u32 $0x10000, s13;
	[sflag:s5] =	ssyncset.done $0x0  }
0x1f: {  	s14 =	sand.u32 $0x4000, s14;
	s15 =	sshrl.u32 s13, $0x2;
	[sflag:s5] =	ssyncadd.s32 $0xFFFFC000  }
0x20: {  	s13 =	sor.u32 $0x8000, s14;
	s14 =	sadd.s32 $0x8040, s15;
	s15 =	sadd.s32 $0x40, s15  }
.LBB1_3:
0x21: {  	s16 =	sshll.u32 s16, $0x2  }
0x22: {  	p0 =	por p1, p1;
	s17 =	sshra.s32 s16, $0x2  }
0x23: {  	s18 =	simm.s32 $0x0;
	s16 =	sadd.s32 s17, s14;
	s17 =	sadd.s32 s17, s15  }
.LBB1_4:
0x24: {  	v0 =	vmov s17;
	_ =	sdelay $0x3  }
0x25: {  	s20 =	simm.s32 $0x0  }
0x26: {  	v6 =	vld.idx.msk [tilespmem:v0+s20+$0x30 ss:$0x1], $0xffff  }
0x27: {  	v7 =	vld.idx.msk [tilespmem:v0+s20+$0xFFFFFFC0 ss:$0x1], $0xffff  }
0x28: {  	v5 =	vld.idx.msk [tilespmem:v0+s20+$0xFFFFFFD0 ss:$0x1], $0xffff  }
0x29: {  	v4 =	vld.idx.msk [tilespmem:v0+s20+$0xFFFFFFE0 ss:$0x1], $0xffff  }
0x2a: {  	v3 =	vld.idx.msk [tilespmem:v0+s20+$0xFFFFFFF0 ss:$0x1], $0xffff  }
0x2b: {  	v1 =	vld.idx.msk [tilespmem:v0+s20+$0x0 ss:$0x1], $0xffff  }
0x2c: {  	v2 =	vld.idx.msk [tilespmem:v0+s20+$0x10 ss:$0x1], $0xffff;
	[tilespmem:s16+$0x30] =	vst v6  }
0x2d: {  	s19 =	simm.s32 $0x80;
	s21 =	simm.s32 $0x400;
	[tilespmem:s16+$0xFFFFFFC0] =	vst v7;
	v6 =	vld.idx.msk [tilespmem:v0+s20+$0x20 ss:$0x1], $0xffff;
	s20 =	smov.u32 s16  }
.LBB1_5:
0x2e: {  	p1 =	sne.s32 s21, $0xE00;
	v7 =	vld.idx.msk [tilespmem:v0+s19+$0x30 ss:$0x1], $0xffff;
	[tilespmem:s20+$0xFFFFFFD0] =	vst v5  }
0x2f: {  	v8 =	vld.idx.msk [tilespmem:v0+s19+$0xFFFFFFC0 ss:$0x1], $0xffff;
	[tilespmem:s20+$0xFFFFFFE0] =	vst v4  }
0x30: {  	v5 =	vld.idx.msk [tilespmem:v0+s19+$0xFFFFFFD0 ss:$0x1], $0xffff;
	[tilespmem:s20+$0xFFFFFFF0] =	vst v3  }
.Ltmp3:
0x31: {  	v4 =	vld.idx.msk [tilespmem:v0+s19+$0xFFFFFFE0 ss:$0x1], $0xffff;
	[tilespmem:s20+$0x0] =	vst v1;
	(pc) =	sbr.rel @p1 .LBB1_5-.Ltmp3, $4  }
0x32: {  	v3 =	vld.idx.msk [tilespmem:v0+s19+$0xFFFFFFF0 ss:$0x1], $0xffff;
	[tilespmem:s20+$0x10] =	vst v2  }
0x33: {  	v1 =	vld.idx.msk [tilespmem:v0+s19+$0x0 ss:$0x1], $0xffff;
	[tilespmem:s20+$0x20] =	vst v6;
	s20 =	sadd.s32 $0x400, s20  }
0x34: {  	v2 =	vld.idx.msk [tilespmem:v0+s19+$0x10 ss:$0x1], $0xffff;
	[tilespmem:s20+$0x30] =	vst v7  }
0x35: {  	[tilespmem:s20+$0xFFFFFFC0] =	vst v8;
	v6 =	vld.idx.msk [tilespmem:v0+s19+$0x20 ss:$0x1], $0xffff;
	s19 =	sshra.s32 s21, $0x2;
	s21 =	sadd.s32 $0x200, s21  }
0x36: {  	_ =	sdelay $0x2  }
0x37: {  	[tilespmem:s20+$0xFFFFFFD0] =	vst v5  }
0x38: {  	v56 =	vld.idx.msk [tilespmem:v0+s19+$0x30 ss:$0x1], $0xffff;
	[tilespmem:s20+$0xFFFFFFE0] =	vst v4  }
0x39: {  	v57 =	vld.idx.msk [tilespmem:v0+s19+$0xFFFFFFC0 ss:$0x1], $0xffff;
	[tilespmem:s20+$0xFFFFFFF0] =	vst v3  }
0x3a: {  	v58 =	vld.idx.msk [tilespmem:v0+s19+$0xFFFFFFD0 ss:$0x1], $0xffff;
	[tilespmem:s20+$0x0] =	vst v1  }
0x3b: {  	v59 =	vld.idx.msk [tilespmem:v0+s19+$0xFFFFFFE0 ss:$0x1], $0xffff;
	[tilespmem:s20+$0x10] =	vst v2  }
0x3c: {  	v60 =	vld.idx.msk [tilespmem:v0+s19+$0xFFFFFFF0 ss:$0x1], $0xffff;
	s31 =	sadd.s32 $0x400, s20;
	[tilespmem:s20+$0x20] =	vst v6  }
0x3d: {  	v61 =	vld.idx.msk [tilespmem:v0+s19+$0x0 ss:$0x1], $0xffff;
	[tilespmem:s31+$0x30] =	vst v56  }
0x3e: {  	v62 =	vld.idx.msk [tilespmem:v0+s19+$0x10 ss:$0x1], $0xffff;
	s18 =	sadd.s32 $0x1, s18;
	[tilespmem:s31+$0xFFFFFFC0] =	vst v57  }
0x3f: {  	v63 =	vld.idx.msk [tilespmem:v0+s19+$0x20 ss:$0x1], $0xffff;
	p1 =	sne.s32 s18, $0x8;
	[tilespmem:s31+$0xFFFFFFD0] =	vst v58  }
.Ltmp4:
0x40: {  	[tilespmem:s31+$0xFFFFFFE0] =	vst v59;
	(pc) =	sbr.rel @p1 .LBB1_4-.Ltmp4, $4  }
0x41: {  	[tilespmem:s31+$0xFFFFFFF0] =	vst v60  }
0x42: {  	[tilespmem:s31+$0x0] =	vst v61  }
0x43: {  	[tilespmem:s31+$0x10] =	vst v62  }
0x44: {  	s16 =	sadd.s32 $0x80, s16;
	s17 =	sadd.s32 $0x400, s17;
	[tilespmem:s31+$0x20] =	vst v63  }
.Ltmp5:
0x45: {  	(pc) =	sbr.rel @p0 .LBB1_3-.Ltmp5, $2  }
0x46: {  	_ =	sdelay $0x2  }
0x47: {  	s16 =	simm.s32 $0x2000;
	p1 =	por $0x0, $0x0  }
.Ltmp6:
0x48: {  	(pc) =	sbr.rel .LBB1_9-.Ltmp6, $4  }
0x49: {  	_ = 	snop  }
0x4a: {  	s12 =	sshll.u32 s12, $0xA  }
0x4b: {  	s12 =	sadd.s32 s2, s12  }
0x4c: {  	[hbm4b:s12+s8] =	stream.linear.scatter [tilespmem:s13], [sflag:$0x2], $0x4000, $0x38;
	[tilespmem:$0x10000] =	vst v63  }
.LBB1_10:
0x4d: {  	_ =	sfence.sel $0x180000  }
0x4e: {  	s2 =	simm.s32 $0x1;
	[bflag:$0x0] =	sbarrier.arrive $0xFFFF  }
0x4f: {  	s31 =	simm.s32 $0x2;
	[sflag:s2] =	ssyncpa.u1 $0x1  }
0x50: {  	[sflag:s31] =	ssyncpa.u1 $0x1  }
0x51: {  	p0 =	sne.s32 s0, $0x0;
	_ =	strace $0x90000047  }
0x52: {  	s0 =	sadd.s32 @!p0 $0x100000, s1;
	[bflag:$0x2] =	sbarrier.arrive $0xFFFF  }
0x53: {  	[sflag:s0] =	ssyncadd.tile.s32 @!p0 $0x1;
	_ =	shalt  }
.Lfunc_end1:
_tile_overlayer_lowered:
.L_overlay_start_2:
0x54: {  	(tag) =	ssettag $0x2  }
0x55: {  	s0 =	rddreg [dreg:$0x0];
	s2 =	stileid.u32  }
0x56: {  	s1 =	rddreg [dreg:$0x1];
	p0 =	sne.s32 s2, $0x0  }
0x57: {  	s3 =	rddreg [dreg:$0x2];
	[bflag:$0x3] =	sbarrier.arrive $0xFFFF;
	s2 =	simm.s32 @!p0 $0x1C01  }
0x58: {  	[timem:s3], [sflag:s2] =	dma.local @!p0 [hbm:s0], s1  }
0x59: {  	s0 =	simm.s32 @!p0 $0x1  }
0x5a: {  	_ =	swait.ge @!p0 [sflag:s0], s1  }
0x5b: {  	s1 =	ssub.s32 @!p0 $0x0, s1;
	[sflag:s0] =	ssyncset.done @!p0 $0x0  }
0x5c: {  	[sflag:s0] =	ssyncadd.s32 @!p0 s1  }
0x5d: {  	[bflag:$0x3] =	sbarrier.arrive $0xFFFF  }
0x5e: {  	_ =	shalt  }

</sc_bundles>
